<compile_context>
chip_gen: v7x
topology: tpu7x:2x2x1
jax: 0.10.2.dev20260603
libtpu: 0.0.44.dev20260713+nightly
codegen_flags: <defaults>
</compile_context>

<pallas_src>
import jax
import jax.numpy as jnp
from jax import lax
from jax.experimental import pallas as pl
from jax.experimental.pallas import tpu as pltpu
from jax.experimental.pallas import tpu_sc as plsc

NUM_CATEGORIES = 1000000
L = 26
D = 16
B = 16384

NC = 2
NS = 16
NW = NC * NS
BW = B // NW

IDX_ROW = 128
ROWS_T = BW // IDX_ROW
VECS_T = BW // 16


def _body(xt_hbm, table_hbm, pw_hbm, pb_hbm, out_hbm,
          idx_v, buf_v, tbuf_v, pw_v, pb_v, gsem):
    wid = lax.axis_index("s") * NC + lax.axis_index("c")
    b0 = wid * BW
    r0 = wid * ROWS_T

    pltpu.sync_copy(pw_hbm, pw_v)
    pltpu.sync_copy(pb_hbm, pb_v)

    def fire(l, slot):
        pltpu.sync_copy(xt_hbm.at[l, pl.ds(r0, ROWS_T)], idx_v.at[slot])

        def fire_one(r, carry):
            pltpu.async_copy(
                table_hbm.at[idx_v.at[slot, r]],
                buf_v.at[slot, pl.ds(r * IDX_ROW, IDX_ROW)],
                gsem.at[slot])
            return carry
        lax.fori_loop(0, ROWS_T, fire_one, 0)

    fire(0, 0)

    def task_body(l, carry):
        slot = lax.rem(l, 2)

        @pl.when(l + 1 < L)
        def _():
            fire(l + 1, 1 - slot)

        pltpu.make_async_copy(
            table_hbm.at[pl.ds(0, BW)], buf_v.at[slot],
            gsem.at[slot]).wait()

        lvec = jnp.full((16,), l, jnp.int32)

        def d_body(d, carry2):
            dvec = jnp.full((16,), d, jnp.int32)
            w = plsc.load_gather(pw_v, [lvec, dvec])
            b = plsc.load_gather(pb_v, [lvec, dvec])

            def v_body(v, carry3):
                for u in range(4):
                    rows = (v * 4 + u) * 16 + lax.iota(jnp.int32, 16)
                    val = plsc.load_gather(buf_v.at[slot], [rows, dvec])
                    tbuf_v[d, pl.ds((v * 4 + u) * 16, 16)] = val * w + b
                return carry3
            lax.fori_loop(0, VECS_T // 4, v_body, 0)
            return carry2
        lax.fori_loop(0, D, d_body, 0)

        pltpu.sync_copy(tbuf_v, out_hbm.at[l, pl.ds(0, D), pl.ds(b0, BW)])
        return carry

    lax.fori_loop(0, L, task_body, 0)


@jax.jit
def kernel(x, shared_embed, position_weights, position_bias):
    xt = x.T.reshape(L, B // IDX_ROW, IDX_ROW)
    mesh = plsc.VectorSubcoreMesh(core_axis_name="c", subcore_axis_name="s")
    out_p = pl.kernel(
        _body,
        out_type=jax.ShapeDtypeStruct((L, D, B), jnp.float32),
        mesh=mesh,
        compiler_params=pltpu.CompilerParams(
            use_tc_tiling_on_sc=False, needs_layout_passes=False),
        scratch_types=[
            pltpu.VMEM((2, ROWS_T, IDX_ROW), jnp.int32),
            pltpu.VMEM((2, BW, D), jnp.float32),
            pltpu.VMEM((D, BW), jnp.float32),
            pltpu.VMEM((L, D), jnp.float32),
            pltpu.VMEM((L, D), jnp.float32),
            pltpu.SemaphoreType.DMA((2,)),
        ],
    )(xt, shared_embed, position_weights, position_bias)
    return out_p.transpose(2, 0, 1)

# --- scband reference (transcript-rebuilt; emitter-appended) ---
"""Pipeline reference for scband-row-embedder-62173946577417 (READ-ONLY COPY).

The authoritative reference and input builder live on the scoring server;
editing this copy changes nothing except your own understanding.
"""

import jax, jax.numpy as jnp
import numpy as np

NUM_CATEGORIES = 1000000
VECTOR_LENGTH = 26
EMBEDDING_DIM = 16
BATCH = 16384

def setup_inputs(seed: int = 0) -> dict:
    key = jax.random.key(seed)
    k_idx, k_tab = jax.random.split(key)
    x = jax.random.randint(k_idx, (BATCH, VECTOR_LENGTH), 0, NUM_CATEGORIES, dtype=jnp.int64 if jax.config.jax_enable_x64 else jnp.int32)
    # nn.Embedding default init: N(0, 1)
    shared_embed = jax.random.normal(k_tab, (NUM_CATEGORIES, EMBEDDING_DIM), dtype=jnp.float32)
    position_weights = jnp.ones((VECTOR_LENGTH, EMBEDDING_DIM), dtype=jnp.float32)
    position_bias = jnp.zeros((VECTOR_LENGTH, EMBEDDING_DIM), dtype=jnp.float32)
    return {"x": x, "shared_embed": shared_embed, "position_weights": position_weights, "position_bias": position_bias}

def reference(x, shared_embed, position_weights, position_bias):
    # shared = self.shared_embed(x) -> gather rows: [B, L, D]
    shared = jnp.take(shared_embed, x, axis=0)
    # broadcast position-wise affine: [L, D] over [B, L, D]
    return shared * position_weights + position_bias

if __name__ == "__main__":
    import jax
    _d = setup_inputs()
    print(jax.jit(kernel)(*tuple(_d.values())))

</pallas_src>

<mosaic_0001>
#map = affine_map<(d0, d1) -> (0, 0, 0)>
#map1 = affine_map<(d0, d1) -> (0, 0)>
module attributes {stable_mosaic.version = 14 : i64} {
  func.func @_body(%arg0: i32, %arg1: i32, %arg2: memref<26x128x128xi32, #tpu.memory_space<hbm>>, %arg3: memref<1000000x16xf32, #tpu.memory_space<hbm>>, %arg4: memref<26x16xf32, #tpu.memory_space<hbm>>, %arg5: memref<26x16xf32, #tpu.memory_space<hbm>>, %arg6: memref<26x16x16384xf32, #tpu.memory_space<hbm>>, %arg7: memref<2x4x128xi32, #tpu.memory_space<vmem>>, %arg8: memref<2x512x16xf32, #tpu.memory_space<vmem>>, %arg9: memref<16x512xf32, #tpu.memory_space<vmem>>, %arg10: memref<26x16xf32, #tpu.memory_space<vmem>>, %arg11: memref<26x16xf32, #tpu.memory_space<vmem>>, %arg12: memref<2x!tpu.dma_semaphore, #tpu.memory_space<semaphore_mem>>) attributes {dimension_semantics = [#tpu.dimension_semantics<core_parallel>, #tpu.dimension_semantics<subcore_parallel>], iteration_bounds = array<i64: 2, 16>, scalar_prefetch = 0 : i64, scratch_operands = 6 : i64, tpu.core_type = #tpu.core_type<sc_vector_subcore>, window_params = [{transform_indices = #map}, {transform_indices = #map1}, {transform_indices = #map1}, {transform_indices = #map1}, {transform_indices = #map}]} {
    %mul3A = arith.constant 2 : i32
    %mul3A_0 = arith.muli %arg1, %mul3A : i32
    %add3A = arith.addi %mul3A_0, %arg0 : i32
    %mul3A_1 = arith.constant 512 : i32
    %mul3A_2 = arith.muli %add3A, %mul3A_1 : i32
    %mul3A_3 = arith.constant 4 : i32
    %mul3A_4 = arith.muli %add3A, %mul3A_3 : i32
    "tpu.region"() ({
      %run_scoped3A_17 = tpu.sem_alloc : memref<!tpu.dma_semaphore, #tpu.memory_space<semaphore_mem>>
      tpu.enqueue_dma source(%arg4 : memref<26x16xf32, #tpu.memory_space<hbm>>) target(%arg10 : memref<26x16xf32, #tpu.memory_space<vmem>>) target_semaphore(%run_scoped3A_17 : memref<!tpu.dma_semaphore, #tpu.memory_space<semaphore_mem>>)
      tpu.wait_dma2 semaphore(%run_scoped3A_17 : memref<!tpu.dma_semaphore, #tpu.memory_space<semaphore_mem>>) src(%arg4 : memref<26x16xf32, #tpu.memory_space<hbm>>) dst(%arg10 : memref<26x16xf32, #tpu.memory_space<vmem>>)
      tpu.yield
    }) : () -> ()
    "tpu.region"() ({
      %run_scoped3A_17 = tpu.sem_alloc : memref<!tpu.dma_semaphore, #tpu.memory_space<semaphore_mem>>
      tpu.enqueue_dma source(%arg5 : memref<26x16xf32, #tpu.memory_space<hbm>>) target(%arg11 : memref<26x16xf32, #tpu.memory_space<vmem>>) target_semaphore(%run_scoped3A_17 : memref<!tpu.dma_semaphore, #tpu.memory_space<semaphore_mem>>)
      tpu.wait_dma2 semaphore(%run_scoped3A_17 : memref<!tpu.dma_semaphore, #tpu.memory_space<semaphore_mem>>) src(%arg5 : memref<26x16xf32, #tpu.memory_space<hbm>>) dst(%arg11 : memref<26x16xf32, #tpu.memory_space<vmem>>)
      tpu.yield
    }) : () -> ()
    %run_scoped3A = arith.constant 0 : i32
    %run_scoped3A_5 = arith.constant 0 : i32
    "tpu.region"() ({
      %run_scoped3A_17 = tpu.sem_alloc : memref<!tpu.dma_semaphore, #tpu.memory_space<semaphore_mem>>
      %dma_start3A = arith.constant 0 : i32
      %dma_start3A_18 = arith.constant 0 : i32
      %dma_start3A_19 = tpu.memref_slice %arg7[%run_scoped3A_5, %dma_start3A, %dma_start3A_18] : memref<2x4x128xi32, #tpu.memory_space<vmem>> -> memref<1x4x128xi32, #tpu.memory_space<vmem>>
      %dma_start3A_20 = tpu.memref_squeeze %dma_start3A_19 : memref<1x4x128xi32, #tpu.memory_space<vmem>> -> memref<4x128xi32, #tpu.memory_space<vmem>>
      %dma_start3A_21 = arith.constant 0 : i32
      %dma_start3A_22 = tpu.memref_slice %arg2[%run_scoped3A, %mul3A_4, %dma_start3A_21] : memref<26x128x128xi32, #tpu.memory_space<hbm>> -> memref<1x4x128xi32, #tpu.memory_space<hbm>>
      %dma_start3A_23 = tpu.memref_squeeze %dma_start3A_22 : memref<1x4x128xi32, #tpu.memory_space<hbm>> -> memref<4x128xi32, #tpu.memory_space<hbm>>
      %dma_start3A_24 = arith.constant 0 : i32
      %dma_start3A_25 = arith.constant 0 : i32
      %dma_start3A_26 = tpu.memref_slice %arg7[%run_scoped3A_5, %dma_start3A_24, %dma_start3A_25] : memref<2x4x128xi32, #tpu.memory_space<vmem>> -> memref<1x4x128xi32, #tpu.memory_space<vmem>>
      %dma_start3A_27 = tpu.memref_squeeze %dma_start3A_26 : memref<1x4x128xi32, #tpu.memory_space<vmem>> -> memref<4x128xi32, #tpu.memory_space<vmem>>
      %dma_start3A_28 = arith.constant 0 : i32
      %dma_start3A_29 = tpu.memref_slice %arg2[%run_scoped3A, %mul3A_4, %dma_start3A_28] : memref<26x128x128xi32, #tpu.memory_space<hbm>> -> memref<1x4x128xi32, #tpu.memory_space<hbm>>
      %dma_start3A_30 = tpu.memref_squeeze %dma_start3A_29 : memref<1x4x128xi32, #tpu.memory_space<hbm>> -> memref<4x128xi32, #tpu.memory_space<hbm>>
      tpu.enqueue_dma source(%dma_start3A_30 : memref<4x128xi32, #tpu.memory_space<hbm>>) target(%dma_start3A_27 : memref<4x128xi32, #tpu.memory_space<vmem>>) target_semaphore(%run_scoped3A_17 : memref<!tpu.dma_semaphore, #tpu.memory_space<semaphore_mem>>)
      %dma_wait3A = arith.constant 0 : i32
      %dma_wait3A_31 = arith.constant 0 : i32
      %dma_wait3A_32 = tpu.memref_slice %arg7[%run_scoped3A_5, %dma_wait3A, %dma_wait3A_31] : memref<2x4x128xi32, #tpu.memory_space<vmem>> -> memref<1x4x128xi32, #tpu.memory_space<vmem>>
      %dma_wait3A_33 = tpu.memref_squeeze %dma_wait3A_32 : memref<1x4x128xi32, #tpu.memory_space<vmem>> -> memref<4x128xi32, #tpu.memory_space<vmem>>
      %dma_wait3A_34 = arith.constant 0 : i32
      %dma_wait3A_35 = tpu.memref_slice %arg2[%run_scoped3A, %mul3A_4, %dma_wait3A_34] : memref<26x128x128xi32, #tpu.memory_space<hbm>> -> memref<1x4x128xi32, #tpu.memory_space<hbm>>
      %dma_wait3A_36 = tpu.memref_squeeze %dma_wait3A_35 : memref<1x4x128xi32, #tpu.memory_space<hbm>> -> memref<4x128xi32, #tpu.memory_space<hbm>>
      %dma_wait3A_37 = arith.constant 0 : i32
      %dma_wait3A_38 = arith.constant 0 : i32
      %dma_wait3A_39 = tpu.memref_slice %arg7[%run_scoped3A_5, %dma_wait3A_37, %dma_wait3A_38] : memref<2x4x128xi32, #tpu.memory_space<vmem>> -> memref<1x4x128xi32, #tpu.memory_space<vmem>>
      %dma_wait3A_40 = tpu.memref_squeeze %dma_wait3A_39 : memref<1x4x128xi32, #tpu.memory_space<vmem>> -> memref<4x128xi32, #tpu.memory_space<vmem>>
      %dma_wait3A_41 = arith.constant 0 : i32
      %dma_wait3A_42 = tpu.memref_slice %arg2[%run_scoped3A, %mul3A_4, %dma_wait3A_41] : memref<26x128x128xi32, #tpu.memory_space<hbm>> -> memref<1x4x128xi32, #tpu.memory_space<hbm>>
      %dma_wait3A_43 = tpu.memref_squeeze %dma_wait3A_42 : memref<1x4x128xi32, #tpu.memory_space<hbm>> -> memref<4x128xi32, #tpu.memory_space<hbm>>
      tpu.wait_dma2 semaphore(%run_scoped3A_17 : memref<!tpu.dma_semaphore, #tpu.memory_space<semaphore_mem>>) src(%dma_wait3A_43 : memref<4x128xi32, #tpu.memory_space<hbm>>) dst(%dma_wait3A_40 : memref<4x128xi32, #tpu.memory_space<vmem>>)
      tpu.yield
    }) : () -> ()
    %scan3A = arith.constant 0 : i32
    %scan3A_6 = arith.constant 0 : i32
    %scan3A_7 = arith.constant 4 : i32
    %scan3A_8 = arith.addi %scan3A_6, %scan3A_7 : i32
    %scan3A_9 = arith.constant 1 : i32
    scf.for %scan3A_17 = %scan3A_6 to %scan3A_8 step %scan3A_9  : i32 {
      %mul3A_18 = arith.constant 128 : i32
      %mul3A_19 = arith.muli %scan3A_17, %mul3A_18 : i32
      %dma_start3A = arith.constant 0 : i32
      %dma_start3A_20 = arith.constant 0 : i32
      %dma_start3A_21 = arith.constant 0 : i32
      %dma_start3A_22 = arith.constant 0 : i32
      %dma_start3A_23 = tpu.memref_slice %arg8[%dma_start3A_20, %mul3A_19, %dma_start3A_22] : memref<2x512x16xf32, #tpu.memory_space<vmem>> -> memref<1x128x16xf32, #tpu.memory_space<vmem>>
      %dma_start3A_24 = tpu.memref_squeeze %dma_start3A_23 : memref<1x128x16xf32, #tpu.memory_space<vmem>> -> memref<128x16xf32, #tpu.memory_space<vmem>>
      %dma_start3A_25 = arith.constant 0 : i32
      %dma_start3A_26 = tpu.memref_slice %arg7[%dma_start3A, %scan3A_17, %dma_start3A_25] : memref<2x4x128xi32, #tpu.memory_space<vmem>> -> memref<1x1x128xi32, #tpu.memory_space<vmem>>
      %dma_start3A_27 = tpu.memref_squeeze %dma_start3A_26 : memref<1x1x128xi32, #tpu.memory_space<vmem>> -> memref<128xi32, #tpu.memory_space<vmem>>
      %dma_start3A_28 = arith.constant 0 : i32
      %dma_start3A_29 = arith.constant 0 : i32
      %dma_start3A_30 = tpu.memref_slice %arg3[%dma_start3A_28, %dma_start3A_29] : memref<1000000x16xf32, #tpu.memory_space<hbm>> -> memref<1000000x16xf32, #tpu.memory_space<hbm>>
      %dma_start3A_31 = tpu.memref_slice %arg12[%dma_start3A_21] : memref<2x!tpu.dma_semaphore, #tpu.memory_space<semaphore_mem>> -> memref<1x!tpu.dma_semaphore, #tpu.memory_space<semaphore_mem>>
      %dma_start3A_32 = tpu.memref_squeeze %dma_start3A_31 : memref<1x!tpu.dma_semaphore, #tpu.memory_space<semaphore_mem>> -> memref<!tpu.dma_semaphore, #tpu.memory_space<semaphore_mem>>
      tpu.enqueue_indirect_dma source(%dma_start3A_30 : memref<1000000x16xf32, #tpu.memory_space<hbm>>) target(%dma_start3A_24 : memref<128x16xf32, #tpu.memory_space<vmem>>) offsets(%dma_start3A_27 : memref<128xi32, #tpu.memory_space<vmem>>) semaphore(%dma_start3A_32 : memref<!tpu.dma_semaphore, #tpu.memory_space<semaphore_mem>>)
    }
    %scan3A_10 = arith.constant 4 : i32
    %scan3A_11 = arith.constant 0 : i32
    %scan3A_12 = arith.constant 0 : i32
    %scan3A_13 = arith.constant 26 : i32
    %scan3A_14 = arith.addi %scan3A_12, %scan3A_13 : i32
    %scan3A_15 = arith.constant 1 : i32
    scf.for %scan3A_17 = %scan3A_12 to %scan3A_14 step %scan3A_15  : i32 {
      %rem3A = arith.constant 2 : i32
      %rem3A_18 = arith.remsi %scan3A_17, %rem3A : i32
      %add3A_19 = arith.constant 1 : i32
      %add3A_20 = arith.addi %scan3A_17, %add3A_19 : i32
      %lt3A = arith.constant 26 : i32
      %lt3A_21 = arith.cmpi slt, %add3A_20, %lt3A : i32
      %convert_element_type3A = arith.extui %lt3A_21 : i1 to i32
      %cond3A = arith.constant 0 : i32
      %cond3A_22 = arith.cmpi ne, %convert_element_type3A, %cond3A : i32
      scf.if %cond3A_22 {
        %add3A_44 = arith.constant 1 : i32
        %add3A_45 = arith.addi %scan3A_17, %add3A_44 : i32
        %sub3A = arith.constant 1 : i32
        %sub3A_46 = arith.subi %sub3A, %rem3A_18 : i32
        "tpu.region"() ({
          %run_scoped3A_53 = tpu.sem_alloc : memref<!tpu.dma_semaphore, #tpu.memory_space<semaphore_mem>>
          %dma_start3A = arith.constant 0 : i32
          %dma_start3A_54 = arith.constant 0 : i32
          %dma_start3A_55 = tpu.memref_slice %arg7[%sub3A_46, %dma_start3A, %dma_start3A_54] : memref<2x4x128xi32, #tpu.memory_space<vmem>> -> memref<1x4x128xi32, #tpu.memory_space<vmem>>
          %dma_start3A_56 = tpu.memref_squeeze %dma_start3A_55 : memref<1x4x128xi32, #tpu.memory_space<vmem>> -> memref<4x128xi32, #tpu.memory_space<vmem>>
          %dma_start3A_57 = arith.constant 0 : i32
          %dma_start3A_58 = tpu.memref_slice %arg2[%add3A_45, %mul3A_4, %dma_start3A_57] : memref<26x128x128xi32, #tpu.memory_space<hbm>> -> memref<1x4x128xi32, #tpu.memory_space<hbm>>
          %dma_start3A_59 = tpu.memref_squeeze %dma_start3A_58 : memref<1x4x128xi32, #tpu.memory_space<hbm>> -> memref<4x128xi32, #tpu.memory_space<hbm>>
          %dma_start3A_60 = arith.constant 0 : i32
          %dma_start3A_61 = arith.constant 0 : i32
          %dma_start3A_62 = tpu.memref_slice %arg7[%sub3A_46, %dma_start3A_60, %dma_start3A_61] : memref<2x4x128xi32, #tpu.memory_space<vmem>> -> memref<1x4x128xi32, #tpu.memory_space<vmem>>
          %dma_start3A_63 = tpu.memref_squeeze %dma_start3A_62 : memref<1x4x128xi32, #tpu.memory_space<vmem>> -> memref<4x128xi32, #tpu.memory_space<vmem>>
          %dma_start3A_64 = arith.constant 0 : i32
          %dma_start3A_65 = tpu.memref_slice %arg2[%add3A_45, %mul3A_4, %dma_start3A_64] : memref<26x128x128xi32, #tpu.memory_space<hbm>> -> memref<1x4x128xi32, #tpu.memory_space<hbm>>
          %dma_start3A_66 = tpu.memref_squeeze %dma_start3A_65 : memref<1x4x128xi32, #tpu.memory_space<hbm>> -> memref<4x128xi32, #tpu.memory_space<hbm>>
          tpu.enqueue_dma source(%dma_start3A_66 : memref<4x128xi32, #tpu.memory_space<hbm>>) target(%dma_start3A_63 : memref<4x128xi32, #tpu.memory_space<vmem>>) target_semaphore(%run_scoped3A_53 : memref<!tpu.dma_semaphore, #tpu.memory_space<semaphore_mem>>)
          %dma_wait3A_67 = arith.constant 0 : i32
          %dma_wait3A_68 = arith.constant 0 : i32
          %dma_wait3A_69 = tpu.memref_slice %arg7[%sub3A_46, %dma_wait3A_67, %dma_wait3A_68] : memref<2x4x128xi32, #tpu.memory_space<vmem>> -> memref<1x4x128xi32, #tpu.memory_space<vmem>>
          %dma_wait3A_70 = tpu.memref_squeeze %dma_wait3A_69 : memref<1x4x128xi32, #tpu.memory_space<vmem>> -> memref<4x128xi32, #tpu.memory_space<vmem>>
          %dma_wait3A_71 = arith.constant 0 : i32
          %dma_wait3A_72 = tpu.memref_slice %arg2[%add3A_45, %mul3A_4, %dma_wait3A_71] : memref<26x128x128xi32, #tpu.memory_space<hbm>> -> memref<1x4x128xi32, #tpu.memory_space<hbm>>
          %dma_wait3A_73 = tpu.memref_squeeze %dma_wait3A_72 : memref<1x4x128xi32, #tpu.memory_space<hbm>> -> memref<4x128xi32, #tpu.memory_space<hbm>>
          %dma_wait3A_74 = arith.constant 0 : i32
          %dma_wait3A_75 = arith.constant 0 : i32
          %dma_wait3A_76 = tpu.memref_slice %arg7[%sub3A_46, %dma_wait3A_74, %dma_wait3A_75] : memref<2x4x128xi32, #tpu.memory_space<vmem>> -> memref<1x4x128xi32, #tpu.memory_space<vmem>>
          %dma_wait3A_77 = tpu.memref_squeeze %dma_wait3A_76 : memref<1x4x128xi32, #tpu.memory_space<vmem>> -> memref<4x128xi32, #tpu.memory_space<vmem>>
          %dma_wait3A_78 = arith.constant 0 : i32
          %dma_wait3A_79 = tpu.memref_slice %arg2[%add3A_45, %mul3A_4, %dma_wait3A_78] : memref<26x128x128xi32, #tpu.memory_space<hbm>> -> memref<1x4x128xi32, #tpu.memory_space<hbm>>
          %dma_wait3A_80 = tpu.memref_squeeze %dma_wait3A_79 : memref<1x4x128xi32, #tpu.memory_space<hbm>> -> memref<4x128xi32, #tpu.memory_space<hbm>>
          tpu.wait_dma2 semaphore(%run_scoped3A_53 : memref<!tpu.dma_semaphore, #tpu.memory_space<semaphore_mem>>) src(%dma_wait3A_80 : memref<4x128xi32, #tpu.memory_space<hbm>>) dst(%dma_wait3A_77 : memref<4x128xi32, #tpu.memory_space<vmem>>)
          tpu.yield
        }) : () -> ()
        %scan3A_47 = arith.constant 0 : i32
        %scan3A_48 = arith.constant 0 : i32
        %scan3A_49 = arith.constant 4 : i32
        %scan3A_50 = arith.addi %scan3A_48, %scan3A_49 : i32
        %scan3A_51 = arith.constant 1 : i32
        scf.for %scan3A_53 = %scan3A_48 to %scan3A_50 step %scan3A_51  : i32 {
          %mul3A_54 = arith.constant 128 : i32
          %mul3A_55 = arith.muli %scan3A_53, %mul3A_54 : i32
          %dma_start3A = arith.constant 0 : i32
          %dma_start3A_56 = tpu.memref_slice %arg8[%sub3A_46, %mul3A_55, %dma_start3A] : memref<2x512x16xf32, #tpu.memory_space<vmem>> -> memref<1x128x16xf32, #tpu.memory_space<vmem>>
          %dma_start3A_57 = tpu.memref_squeeze %dma_start3A_56 : memref<1x128x16xf32, #tpu.memory_space<vmem>> -> memref<128x16xf32, #tpu.memory_space<vmem>>
          %dma_start3A_58 = arith.constant 0 : i32
          %dma_start3A_59 = tpu.memref_slice %arg7[%sub3A_46, %scan3A_53, %dma_start3A_58] : memref<2x4x128xi32, #tpu.memory_space<vmem>> -> memref<1x1x128xi32, #tpu.memory_space<vmem>>
          %dma_start3A_60 = tpu.memref_squeeze %dma_start3A_59 : memref<1x1x128xi32, #tpu.memory_space<vmem>> -> memref<128xi32, #tpu.memory_space<vmem>>
          %dma_start3A_61 = arith.constant 0 : i32
          %dma_start3A_62 = arith.constant 0 : i32
          %dma_start3A_63 = tpu.memref_slice %arg3[%dma_start3A_61, %dma_start3A_62] : memref<1000000x16xf32, #tpu.memory_space<hbm>> -> memref<1000000x16xf32, #tpu.memory_space<hbm>>
          %dma_start3A_64 = tpu.memref_slice %arg12[%sub3A_46] : memref<2x!tpu.dma_semaphore, #tpu.memory_space<semaphore_mem>> -> memref<1x!tpu.dma_semaphore, #tpu.memory_space<semaphore_mem>>
          %dma_start3A_65 = tpu.memref_squeeze %dma_start3A_64 : memref<1x!tpu.dma_semaphore, #tpu.memory_space<semaphore_mem>> -> memref<!tpu.dma_semaphore, #tpu.memory_space<semaphore_mem>>
          tpu.enqueue_indirect_dma source(%dma_start3A_63 : memref<1000000x16xf32, #tpu.memory_space<hbm>>) target(%dma_start3A_57 : memref<128x16xf32, #tpu.memory_space<vmem>>) offsets(%dma_start3A_60 : memref<128xi32, #tpu.memory_space<vmem>>) semaphore(%dma_start3A_65 : memref<!tpu.dma_semaphore, #tpu.memory_space<semaphore_mem>>)
        }
        %scan3A_52 = arith.constant 4 : i32
      } else {
      }
      %dma_wait3A = arith.constant 0 : i32
      %dma_wait3A_23 = arith.constant 0 : i32
      %dma_wait3A_24 = tpu.memref_slice %arg8[%rem3A_18, %dma_wait3A, %dma_wait3A_23] : memref<2x512x16xf32, #tpu.memory_space<vmem>> -> memref<1x512x16xf32, #tpu.memory_space<vmem>>
      %dma_wait3A_25 = tpu.memref_squeeze %dma_wait3A_24 : memref<1x512x16xf32, #tpu.memory_space<vmem>> -> memref<512x16xf32, #tpu.memory_space<vmem>>
      %dma_wait3A_26 = arith.constant 0 : i32
      %dma_wait3A_27 = arith.constant 0 : i32
      %dma_wait3A_28 = tpu.memref_slice %arg3[%dma_wait3A_26, %dma_wait3A_27] : memref<1000000x16xf32, #tpu.memory_space<hbm>> -> memref<512x16xf32, #tpu.memory_space<hbm>>
      %dma_wait3A_29 = tpu.memref_slice %arg12[%rem3A_18] : memref<2x!tpu.dma_semaphore, #tpu.memory_space<semaphore_mem>> -> memref<1x!tpu.dma_semaphore, #tpu.memory_space<semaphore_mem>>
      %dma_wait3A_30 = tpu.memref_squeeze %dma_wait3A_29 : memref<1x!tpu.dma_semaphore, #tpu.memory_space<semaphore_mem>> -> memref<!tpu.dma_semaphore, #tpu.memory_space<semaphore_mem>>
      %dma_wait3A_31 = arith.constant 0 : i32
      %dma_wait3A_32 = arith.constant 0 : i32
      %dma_wait3A_33 = tpu.memref_slice %arg8[%rem3A_18, %dma_wait3A_31, %dma_wait3A_32] : memref<2x512x16xf32, #tpu.memory_space<vmem>> -> memref<1x512x16xf32, #tpu.memory_space<vmem>>
      %dma_wait3A_34 = tpu.memref_squeeze %dma_wait3A_33 : memref<1x512x16xf32, #tpu.memory_space<vmem>> -> memref<512x16xf32, #tpu.memory_space<vmem>>
      %dma_wait3A_35 = arith.constant 0 : i32
      %dma_wait3A_36 = arith.constant 0 : i32
      %dma_wait3A_37 = tpu.memref_slice %arg3[%dma_wait3A_35, %dma_wait3A_36] : memref<1000000x16xf32, #tpu.memory_space<hbm>> -> memref<512x16xf32, #tpu.memory_space<hbm>>
      tpu.wait_dma2 semaphore(%dma_wait3A_30 : memref<!tpu.dma_semaphore, #tpu.memory_space<semaphore_mem>>) src(%dma_wait3A_37 : memref<512x16xf32, #tpu.memory_space<hbm>>) dst(%dma_wait3A_34 : memref<512x16xf32, #tpu.memory_space<vmem>>)
      %broadcast_in_dim3A = vector.broadcast %scan3A_17 : i32 to vector<16xi32>
      %scan3A_38 = arith.constant 0 : i32
      %scan3A_39 = arith.constant 0 : i32
      %scan3A_40 = arith.constant 16 : i32
      %scan3A_41 = arith.addi %scan3A_39, %scan3A_40 : i32
      %scan3A_42 = arith.constant 1 : i32
      scf.for %scan3A_44 = %scan3A_39 to %scan3A_41 step %scan3A_42  : i32 {
        %broadcast_in_dim3A_45 = vector.broadcast %scan3A_44 : i32 to vector<16xi32>
        %gather3A = tpu.vector_load_idx %arg10[%broadcast_in_dim3A, %broadcast_in_dim3A_45] : memref<26x16xf32, #tpu.memory_space<vmem>>[vector<16xi32>, vector<16xi32>], vector<16xf32>,
        %gather3A_46 = tpu.vector_load_idx %arg11[%broadcast_in_dim3A, %broadcast_in_dim3A_45] : memref<26x16xf32, #tpu.memory_space<vmem>>[vector<16xi32>, vector<16xi32>], vector<16xf32>,
        %scan3A_47 = arith.constant 0 : i32
        %scan3A_48 = arith.constant 0 : i32
        %scan3A_49 = arith.constant 8 : i32
        %scan3A_50 = arith.addi %scan3A_48, %scan3A_49 : i32
        %scan3A_51 = arith.constant 1 : i32
        scf.for %scan3A_53 = %scan3A_48 to %scan3A_50 step %scan3A_51  : i32 {
          %mul3A_54 = arith.constant 4 : i32
          %mul3A_55 = arith.muli %scan3A_53, %mul3A_54 : i32
          %add3A_56 = arith.constant 0 : i32
          %add3A_57 = arith.addi %mul3A_55, %add3A_56 : i32
          %mul3A_58 = arith.constant 16 : i32
          %mul3A_59 = arith.muli %add3A_57, %mul3A_58 : i32
          %iota3A = tpu.iota {dimensions = array<i32: 0>} : vector<16xi32>
          %add3A_60 = vector.broadcast %mul3A_59 : i32 to vector<16xi32>
          %add3A_61 = arith.addi %add3A_60, %iota3A : vector<16xi32>
          %gather3A_62 = arith.constant 0 : i32
          %gather3A_63 = arith.constant 0 : i32
          %gather3A_64 = tpu.memref_slice %arg8[%rem3A_18, %gather3A_62, %gather3A_63] : memref<2x512x16xf32, #tpu.memory_space<vmem>> -> memref<1x512x16xf32, #tpu.memory_space<vmem>>
          %gather3A_65 = tpu.memref_squeeze %gather3A_64 : memref<1x512x16xf32, #tpu.memory_space<vmem>> -> memref<512x16xf32, #tpu.memory_space<vmem>>
          %gather3A_66 = tpu.vector_load_idx %gather3A_65[%add3A_61, %broadcast_in_dim3A_45] : memref<512x16xf32, #tpu.memory_space<vmem>>[vector<16xi32>, vector<16xi32>], vector<16xf32>,
          %mul3A_67 = arith.mulf %gather3A_66, %gather3A : vector<16xf32>
          %add3A_68 = arith.addf %mul3A_67, %gather3A_46 : vector<16xf32>
          %mul3A_69 = arith.constant 4 : i32
          %mul3A_70 = arith.muli %scan3A_53, %mul3A_69 : i32
          %add3A_71 = arith.constant 0 : i32
          %add3A_72 = arith.addi %mul3A_70, %add3A_71 : i32
          %mul3A_73 = arith.constant 16 : i32
          %mul3A_74 = arith.muli %add3A_72, %mul3A_73 : i32
          %swap3A = arith.index_cast %scan3A_44 : i32 to index
          %swap3A_75 = arith.index_cast %mul3A_74 : i32 to index
          %swap3A_76 = tpu.vector_load %arg9[%swap3A, %swap3A_75] {strides = array<i32>} : memref<16x512xf32, #tpu.memory_space<vmem>>, vector<16xf32>,
          tpu.vector_store %arg9[%swap3A, %swap3A_75], %add3A_68 {strides = array<i32>} : memref<16x512xf32, #tpu.memory_space<vmem>>, vector<16xf32>,
          %mul3A_77 = arith.constant 4 : i32
          %mul3A_78 = arith.muli %scan3A_53, %mul3A_77 : i32
          %add3A_79 = arith.constant 1 : i32
          %add3A_80 = arith.addi %mul3A_78, %add3A_79 : i32
          %mul3A_81 = arith.constant 16 : i32
          %mul3A_82 = arith.muli %add3A_80, %mul3A_81 : i32
          %iota3A_83 = tpu.iota {dimensions = array<i32: 0>} : vector<16xi32>
          %add3A_84 = vector.broadcast %mul3A_82 : i32 to vector<16xi32>
          %add3A_85 = arith.addi %add3A_84, %iota3A_83 : vector<16xi32>
          %gather3A_86 = arith.constant 0 : i32
          %gather3A_87 = arith.constant 0 : i32
          %gather3A_88 = tpu.memref_slice %arg8[%rem3A_18, %gather3A_86, %gather3A_87] : memref<2x512x16xf32, #tpu.memory_space<vmem>> -> memref<1x512x16xf32, #tpu.memory_space<vmem>>
          %gather3A_89 = tpu.memref_squeeze %gather3A_88 : memref<1x512x16xf32, #tpu.memory_space<vmem>> -> memref<512x16xf32, #tpu.memory_space<vmem>>
          %gather3A_90 = tpu.vector_load_idx %gather3A_89[%add3A_85, %broadcast_in_dim3A_45] : memref<512x16xf32, #tpu.memory_space<vmem>>[vector<16xi32>, vector<16xi32>], vector<16xf32>,
          %mul3A_91 = arith.mulf %gather3A_90, %gather3A : vector<16xf32>
          %add3A_92 = arith.addf %mul3A_91, %gather3A_46 : vector<16xf32>
          %mul3A_93 = arith.constant 4 : i32
          %mul3A_94 = arith.muli %scan3A_53, %mul3A_93 : i32
          %add3A_95 = arith.constant 1 : i32
          %add3A_96 = arith.addi %mul3A_94, %add3A_95 : i32
          %mul3A_97 = arith.constant 16 : i32
          %mul3A_98 = arith.muli %add3A_96, %mul3A_97 : i32
          %swap3A_99 = arith.index_cast %scan3A_44 : i32 to index
          %swap3A_100 = arith.index_cast %mul3A_98 : i32 to index
          %swap3A_101 = tpu.vector_load %arg9[%swap3A_99, %swap3A_100] {strides = array<i32>} : memref<16x512xf32, #tpu.memory_space<vmem>>, vector<16xf32>,
          tpu.vector_store %arg9[%swap3A_99, %swap3A_100], %add3A_92 {strides = array<i32>} : memref<16x512xf32, #tpu.memory_space<vmem>>, vector<16xf32>,
          %mul3A_102 = arith.constant 4 : i32
          %mul3A_103 = arith.muli %scan3A_53, %mul3A_102 : i32
          %add3A_104 = arith.constant 2 : i32
          %add3A_105 = arith.addi %mul3A_103, %add3A_104 : i32
          %mul3A_106 = arith.constant 16 : i32
          %mul3A_107 = arith.muli %add3A_105, %mul3A_106 : i32
          %iota3A_108 = tpu.iota {dimensions = array<i32: 0>} : vector<16xi32>
          %add3A_109 = vector.broadcast %mul3A_107 : i32 to vector<16xi32>
          %add3A_110 = arith.addi %add3A_109, %iota3A_108 : vector<16xi32>
          %gather3A_111 = arith.constant 0 : i32
          %gather3A_112 = arith.constant 0 : i32
          %gather3A_113 = tpu.memref_slice %arg8[%rem3A_18, %gather3A_111, %gather3A_112] : memref<2x512x16xf32, #tpu.memory_space<vmem>> -> memref<1x512x16xf32, #tpu.memory_space<vmem>>
          %gather3A_114 = tpu.memref_squeeze %gather3A_113 : memref<1x512x16xf32, #tpu.memory_space<vmem>> -> memref<512x16xf32, #tpu.memory_space<vmem>>
          %gather3A_115 = tpu.vector_load_idx %gather3A_114[%add3A_110, %broadcast_in_dim3A_45] : memref<512x16xf32, #tpu.memory_space<vmem>>[vector<16xi32>, vector<16xi32>], vector<16xf32>,
          %mul3A_116 = arith.mulf %gather3A_115, %gather3A : vector<16xf32>
          %add3A_117 = arith.addf %mul3A_116, %gather3A_46 : vector<16xf32>
          %mul3A_118 = arith.constant 4 : i32
          %mul3A_119 = arith.muli %scan3A_53, %mul3A_118 : i32
          %add3A_120 = arith.constant 2 : i32
          %add3A_121 = arith.addi %mul3A_119, %add3A_120 : i32
          %mul3A_122 = arith.constant 16 : i32
          %mul3A_123 = arith.muli %add3A_121, %mul3A_122 : i32
          %swap3A_124 = arith.index_cast %scan3A_44 : i32 to index
          %swap3A_125 = arith.index_cast %mul3A_123 : i32 to index
          %swap3A_126 = tpu.vector_load %arg9[%swap3A_124, %swap3A_125] {strides = array<i32>} : memref<16x512xf32, #tpu.memory_space<vmem>>, vector<16xf32>,
          tpu.vector_store %arg9[%swap3A_124, %swap3A_125], %add3A_117 {strides = array<i32>} : memref<16x512xf32, #tpu.memory_space<vmem>>, vector<16xf32>,
          %mul3A_127 = arith.constant 4 : i32
          %mul3A_128 = arith.muli %scan3A_53, %mul3A_127 : i32
          %add3A_129 = arith.constant 3 : i32
          %add3A_130 = arith.addi %mul3A_128, %add3A_129 : i32
          %mul3A_131 = arith.constant 16 : i32
          %mul3A_132 = arith.muli %add3A_130, %mul3A_131 : i32
          %iota3A_133 = tpu.iota {dimensions = array<i32: 0>} : vector<16xi32>
          %add3A_134 = vector.broadcast %mul3A_132 : i32 to vector<16xi32>
          %add3A_135 = arith.addi %add3A_134, %iota3A_133 : vector<16xi32>
          %gather3A_136 = arith.constant 0 : i32
          %gather3A_137 = arith.constant 0 : i32
          %gather3A_138 = tpu.memref_slice %arg8[%rem3A_18, %gather3A_136, %gather3A_137] : memref<2x512x16xf32, #tpu.memory_space<vmem>> -> memref<1x512x16xf32, #tpu.memory_space<vmem>>
          %gather3A_139 = tpu.memref_squeeze %gather3A_138 : memref<1x512x16xf32, #tpu.memory_space<vmem>> -> memref<512x16xf32, #tpu.memory_space<vmem>>
          %gather3A_140 = tpu.vector_load_idx %gather3A_139[%add3A_135, %broadcast_in_dim3A_45] : memref<512x16xf32, #tpu.memory_space<vmem>>[vector<16xi32>, vector<16xi32>], vector<16xf32>,
          %mul3A_141 = arith.mulf %gather3A_140, %gather3A : vector<16xf32>
          %add3A_142 = arith.addf %mul3A_141, %gather3A_46 : vector<16xf32>
          %mul3A_143 = arith.constant 4 : i32
          %mul3A_144 = arith.muli %scan3A_53, %mul3A_143 : i32
          %add3A_145 = arith.constant 3 : i32
          %add3A_146 = arith.addi %mul3A_144, %add3A_145 : i32
          %mul3A_147 = arith.constant 16 : i32
          %mul3A_148 = arith.muli %add3A_146, %mul3A_147 : i32
          %swap3A_149 = arith.index_cast %scan3A_44 : i32 to index
          %swap3A_150 = arith.index_cast %mul3A_148 : i32 to index
          %swap3A_151 = tpu.vector_load %arg9[%swap3A_149, %swap3A_150] {strides = array<i32>} : memref<16x512xf32, #tpu.memory_space<vmem>>, vector<16xf32>,
          tpu.vector_store %arg9[%swap3A_149, %swap3A_150], %add3A_142 {strides = array<i32>} : memref<16x512xf32, #tpu.memory_space<vmem>>, vector<16xf32>,
        }
        %scan3A_52 = arith.constant 8 : i32
      }
      %scan3A_43 = arith.constant 16 : i32
      "tpu.region"() ({
        %run_scoped3A_44 = tpu.sem_alloc : memref<!tpu.dma_semaphore, #tpu.memory_space<semaphore_mem>>
        %dma_start3A = arith.constant 0 : i32
        %dma_start3A_45 = tpu.memref_slice %arg6[%scan3A_17, %dma_start3A, %mul3A_2] : memref<26x16x16384xf32, #tpu.memory_space<hbm>> -> memref<1x16x512xf32, #tpu.memory_space<hbm>>
        %dma_start3A_46 = tpu.memref_squeeze %dma_start3A_45 : memref<1x16x512xf32, #tpu.memory_space<hbm>> -> memref<16x512xf32, #tpu.memory_space<hbm>>
        %dma_start3A_47 = arith.constant 0 : i32
        %dma_start3A_48 = tpu.memref_slice %arg6[%scan3A_17, %dma_start3A_47, %mul3A_2] : memref<26x16x16384xf32, #tpu.memory_space<hbm>> -> memref<1x16x512xf32, #tpu.memory_space<hbm>>
        %dma_start3A_49 = tpu.memref_squeeze %dma_start3A_48 : memref<1x16x512xf32, #tpu.memory_space<hbm>> -> memref<16x512xf32, #tpu.memory_space<hbm>>
        tpu.enqueue_dma source(%arg9 : memref<16x512xf32, #tpu.memory_space<vmem>>) target(%dma_start3A_49 : memref<16x512xf32, #tpu.memory_space<hbm>>) target_semaphore(%run_scoped3A_44 : memref<!tpu.dma_semaphore, #tpu.memory_space<semaphore_mem>>)
        %dma_wait3A_50 = arith.constant 0 : i32
        %dma_wait3A_51 = tpu.memref_slice %arg6[%scan3A_17, %dma_wait3A_50, %mul3A_2] : memref<26x16x16384xf32, #tpu.memory_space<hbm>> -> memref<1x16x512xf32, #tpu.memory_space<hbm>>
        %dma_wait3A_52 = tpu.memref_squeeze %dma_wait3A_51 : memref<1x16x512xf32, #tpu.memory_space<hbm>> -> memref<16x512xf32, #tpu.memory_space<hbm>>
        %dma_wait3A_53 = arith.constant 0 : i32
        %dma_wait3A_54 = tpu.memref_slice %arg6[%scan3A_17, %dma_wait3A_53, %mul3A_2] : memref<26x16x16384xf32, #tpu.memory_space<hbm>> -> memref<1x16x512xf32, #tpu.memory_space<hbm>>
        %dma_wait3A_55 = tpu.memref_squeeze %dma_wait3A_54 : memref<1x16x512xf32, #tpu.memory_space<hbm>> -> memref<16x512xf32, #tpu.memory_space<hbm>>
        tpu.wait_dma2 semaphore(%run_scoped3A_44 : memref<!tpu.dma_semaphore, #tpu.memory_space<semaphore_mem>>) src(%arg9 : memref<16x512xf32, #tpu.memory_space<vmem>>) dst(%dma_wait3A_55 : memref<16x512xf32, #tpu.memory_space<hbm>>)
        tpu.yield
      }) : () -> ()
    }
    %scan3A_16 = arith.constant 26 : i32
    return
  }
}

</mosaic_0001>

<sc_bundles>
// kernel: kernel.3.cloned.1.call-start
scs
__scs_entry_jumppad:
0x0: {  	(pc) =	sbr.rel $0x88, $3  }
0x1: {  	(tag) =	ssettag $0x0;
	lr =	simm.s32 $0x1  }
0x2: {  	[smem:$0x3F9D] =	sst lr;
	_ =	strace $0xD0000000  }
0x3: {  	_ = 	snop  }
0x4: {  	_ = 	snop  }
0x5: {  	_ = 	snop  }
0x6: {  	_ = 	snop  }
0x7: {  	_ = 	snop  }
__scs_overlays_trampoline_lowered:
0x8: {  	[smem:$0x3FAC] =	sst s0  }
0x9: {  	[smem:$0x3FAD] =	sst s1  }
0xa: {  	[smem:$0x3FAE] =	sst s2  }
0xb: {  	[smem:$0x3FAF] =	sst s3  }
0xc: {  	[smem:$0x3FB0] =	sst s4  }
0xd: {  	[smem:$0x3FB1] =	sst s5  }
0xe: {  	[smem:$0x3FB2] =	sst s6  }
0xf: {  	[smem:$0x3FB3] =	sst s7  }
0x10: {  	[smem:$0x3FB4] =	sst s8  }
0x11: {  	[smem:$0x3FB5] =	sst s9;
	s0 =	simm.s32 @!p0 $0x0  }
0x12: {  	s1 =	sld [smem:$0x3F9B];
	s0 =	simm.s32 @p0 $0x1  }
0x13: {  	[smem:$0x3FB6] =	sst s0;
	s0 =	simm.s32 @!p1 $0x0  }
0x14: {  	s2 =	sld [smem:$0x3F9A];
	s0 =	simm.s32 @p1 $0x1  }
0x15: {  	[smem:$0x3FB7] =	sst s0;
	s0 =	simm.s32 @!p2 $0x0  }
0x16: {  	s3 =	sld [smem:$0x3FDB];
	s0 =	simm.s32 @p2 $0x1  }
0x17: {  	s4 =	simm.s32 $0x1BF5;
	[smem:$0x3FB9] =	sst s0  }
0x18: {  	s0 =	sld [smem:$0x3F9C];
	_ =	swait.ge [sflag:s4], $0x0  }
0x19: {  	s7 =	sld [smem:$0x3F9D]  }
0x1a: {  	s8 =	sadd.s32 $0xFFFFE003, lr  }
0x1b: {  	s9 =	sadd.s32 $0xFFFFFEF7, lr;
	s5 =	simm.s32 $0xFFFFFFFF;
	p2 =	slt.u32 s8, $0xFFFFF086  }
0x1c: {  	p1 =	slt.u32 s9, $0xF7A;
	s5 =	simm.s32 @!p2 $0x0  }
0x1d: {  	s5 =	simm.s32 @p1 $0x1;
	p0 =	seq.s32 s7, s2  }
0x1e: {  	s7 =	smul.u32 @!p0 $0xF7A, s2;
	p2 =	seq.s32 @!p0 s5, $0x0  }
0x1f: {  	s9 =	smul.u32 $0xF7A, s1;
	s8 =	simm.s32 @!p0 $0x1BF5;
	p2 =	por !p2, p0  }
0x20: {  	[sflag:s8] =	ssyncset.s32 @!p0 $0xFFFFF086;
	s6 =	sadd.s32 @!p0 s3, s7;
	s7 =	simm.s32 @!p0 $0x108  }
0x21: {  	s3 =	sadd.s32 s3, s9;
	s6 =	sadd.s32 @!p0 $0x88, s6;
	s7 =	simm.s32 @p2 $0x1082  }
0x22: {  	[simem:s7], [sflag:s8] =	dma.local @!p0 [hbm:s6], $0xF7A  }
0x23: {  	s9 =	sor.u32 $0xD0000000, s2;
	s6 =	simm.s32 $0x108;
	_ =	swait.ge @!p0 [sflag:s8], $0x0  }
0x24: {  	s3 =	sadd.s32 $0x88, s3;
	s6 =	simm.s32 @!p1 $0x1082;
	[sflag:s4] =	ssyncset.s32 $0xFFFFF086  }
0x25: {  	[simem:s6], [sflag:s4] =	dma.local [hbm:s3], $0xF7A  }
0x26: {  	[smem:$0x3F9D] =	sst s1;
	(tag) =	ssettag s2;
	_ =	strace s9  }
0x27: {  	s1 =	sld [smem:$0x3FAD]  }
0x28: {  	s2 =	sld [smem:$0x3FAE]  }
0x29: {  	s4 =	sld [smem:$0x3FB0]  }
0x2a: {  	p0 =	seq.s32 s5, $0x0;
	s5 =	sld [smem:$0x3FB1]  }
0x2b: {  	s6 =	sld [smem:$0x3FB2]  }
0x2c: {  	s7 =	sld [smem:$0x3FB3]  }
0x2d: {  	s3 =	simm.s32 $0x108;
	s8 =	sld [smem:$0x3FB4]  }
0x2e: {  	s3 =	simm.s32 @!p0 $0x1082;
	s9 =	sld [smem:$0x3FB5]  }
0x2f: {  	lr =	sadd.s32 s0, s3;
	s0 =	sld [smem:$0x3FAC]  }
0x30: {  	s3 =	sld [smem:$0x3FAF]  }
0x31: {  	[smem:$0x3FB8] =	sst s10  }
0x32: {  	s10 =	sld [smem:$0x3FB6];
	_ =	sdelay $0x3  }
0x33: {  	p0 =	seq.s32 s10, $0x1;
	s10 =	sld [smem:$0x3FB8];
	_ =	sdelay $0x3  }
0x34: {  	[smem:$0x3FB8] =	sst s10  }
0x35: {  	s10 =	sld [smem:$0x3FB7];
	_ =	sdelay $0x3  }
0x36: {  	p1 =	seq.s32 s10, $0x1;
	s10 =	sld [smem:$0x3FB8];
	_ =	sdelay $0x3  }
0x37: {  	[smem:$0x3FB8] =	sst s10  }
0x38: {  	s10 =	sld [smem:$0x3FB9]  }
0x39: {  	_ = 	snop;
	(pc) =	sbr.ind lr, $3  }
0x3a: {  	_ = 	snop  }
0x3b: {  	_ = 	snop  }
0x3c: {  	p2 =	seq.s32 s10, $0x1;
	s10 =	sld [smem:$0x3FB8]  }
0x3d: {  	_ =	shalt  }
0x3e: {  	_ =	shalt  }
0x3f: {  	_ =	shalt  }
0x40: {  	_ =	shalt  }
0x41: {  	_ =	shalt  }
0x42: {  	_ =	shalt  }
0x43: {  	_ =	shalt  }
0x44: {  	_ =	shalt  }
0x45: {  	_ =	shalt  }
0x46: {  	_ =	shalt  }
0x47: {  	_ =	shalt  }
0x48: {  	_ =	shalt  }
0x49: {  	_ =	shalt  }
0x4a: {  	_ =	shalt  }
0x4b: {  	_ =	shalt  }
0x4c: {  	_ =	shalt  }
0x4d: {  	_ =	shalt  }
0x4e: {  	_ =	shalt  }
0x4f: {  	_ =	shalt  }
0x50: {  	_ =	shalt  }
0x51: {  	_ =	shalt  }
0x52: {  	_ =	shalt  }
0x53: {  	_ =	shalt  }
0x54: {  	_ =	shalt  }
0x55: {  	_ =	shalt  }
0x56: {  	_ =	shalt  }
0x57: {  	_ =	shalt  }
0x58: {  	_ =	shalt  }
0x59: {  	_ =	shalt  }
0x5a: {  	_ =	shalt  }
0x5b: {  	_ =	shalt  }
0x5c: {  	_ =	shalt  }
0x5d: {  	_ =	shalt  }
0x5e: {  	_ =	shalt  }
0x5f: {  	_ =	shalt  }
0x60: {  	_ =	shalt  }
0x61: {  	_ =	shalt  }
0x62: {  	_ =	shalt  }
0x63: {  	_ =	shalt  }
0x64: {  	_ =	shalt  }
0x65: {  	_ =	shalt  }
0x66: {  	_ =	shalt  }
0x67: {  	_ =	shalt  }
0x68: {  	_ =	shalt  }
0x69: {  	_ =	shalt  }
0x6a: {  	_ =	shalt  }
0x6b: {  	_ =	shalt  }
0x6c: {  	_ =	shalt  }
0x6d: {  	_ =	shalt  }
0x6e: {  	_ =	shalt  }
0x6f: {  	_ =	shalt  }
0x70: {  	_ =	shalt  }
0x71: {  	_ =	shalt  }
0x72: {  	_ =	shalt  }
0x73: {  	_ =	shalt  }
0x74: {  	_ =	shalt  }
0x75: {  	_ =	shalt  }
0x76: {  	_ =	shalt  }
0x77: {  	_ =	shalt  }
0x78: {  	_ =	shalt  }
0x79: {  	_ =	shalt  }
0x7a: {  	_ =	shalt  }
0x7b: {  	_ =	shalt  }
0x7c: {  	_ =	shalt  }
0x7d: {  	_ =	shalt  }
0x7e: {  	_ =	shalt  }
0x7f: {  	_ =	shalt  }
0x80: {  	_ =	shalt  }
0x81: {  	_ =	shalt  }
0x82: {  	_ =	shalt  }
0x83: {  	_ =	shalt  }
0x84: {  	_ =	shalt  }
0x85: {  	_ =	shalt  }
0x86: {  	_ =	shalt  }
0x87: {  	_ =	shalt  }
.Lfunc_end0:
.L_simem_size_0:
called_computation_lowered:
.L_overlay_start_0:
0x88: {  	s2 =	sld [smem:$0x3FD9]  }
0x89: {  	s3 =	sld [smem:$0x3FFE];
	_ =	sdelay $0x1  }
0x8a: {  	s1 =	srdreg.scid  }
0x8b: {  	s0 =	sand.u32 $0x1, s1  }
0x8c: {  	s17 =	sshll.u32 s0, $0xA;
	s2 =	sadd.s32 s3, s2  }
0x8d: {  	s2 =	sadd.s32 s2, s17  }
0x8e: {  	[smem:$0x3FC4] =	sst s2  }
0x8f: {  	_ = 	snop  }
0x90: {  	s2 =	sld [smem:$0x3FD0];
	(tm) =	ssettm $0x1  }
0x91: {  	s18 =	sld [smem:$0x3FFB];
	_ =	sdelay $0x3  }
0x92: {  	_ =	strace s18  }
0x93: {  	s3 =	sld [smem:$0x3FFC];
	_ =	sdelay $0x3  }
0x94: {  	_ =	strace s3  }
0x95: {  	s3 =	sld [smem:$0x3FFD];
	_ =	sdelay $0x3  }
0x96: {  	_ =	strace s3  }
0x97: {  	_ =	strace $0x8FFFFFFF  }
0x98: {  	s19 =	sld [smem:$0x3FDB];
	_ =	sdelay $0x1  }
0x99: {  	s4 =	simm.s32 $_scs_section_size  }
0x9a: {  	s5 =	simm.s32 $_size__tile_overlayer_lowered;
	s6 =	simm.s32 $_tile_overlayer_lowered  }
0x9b: {  	s22 =	simm.s32 $0x1BFF;
	s21 =	sshll.u32 s6, $0x1;
	s3 =	sadd.s32 s4, s19  }
0x9c: {  	s7 =	simm.s32 $0x0;
	s20 =	sshll.u32 s5, $0x1;
	s5 =	sadd.s32 s21, s3  }
0x9d: {  	[timem:s7], [sflag:s22] =	dma.local [hbm:s5], s20  }
0x9e: {  	_ =	swait.ge [sflag:s22], s20  }
0x9f: {  	s4 =	ssub.s32 $0x0, s20;
	[sflag:s22] =	ssyncset.done $0x0  }
0xa0: {  	[sflag:s22] =	ssyncadd.s32 s4;
	_ =	sdelay $0x1  }
0xa1: {  	s23 =	simm.s32 $0x1B8B  }
0xa2: {  	_ =	swait.ge [sflag:s23], $0x1  }
0xa3: {  	[sflag:s23] =	ssyncset.done $0x0  }
0xa4: {  	s25 =	simm.s32 $0x1B8E;
	s24 =	sld [smem:$0x3FFE];
	[sflag:s23] =	ssyncadd.s32 $0xFFFFFFFF  }
0xa5: {  	s26 =	simm.s32 $execute0_lowered;
	[smem:$0x3FD2] =	sst s25  }
0xa6: {  	s5 =	sshll.u32 s26, $0x1;
	_ =	strace $0x80000046;
	[dreg:$0x1] =	wrdreg $0xFFFFFFFF  }
0xa7: {  	s28 =	simm.s32 $_size_execute0_lowered;
	s3 =	sadd.s32 s3, s5;
	[dreg:$0x0] =	wrdreg $0x0  }
0xa8: {  	s5 =	sshll.u32 s28, $0x1;
	[dreg:$0x2] =	wrdreg s3  }
0xa9: {  	[dreg:$0x3] =	wrdreg s5  }
0xaa: {  	[dreg:$0x4] =	wrdreg $0xC0  }
0xab: {  	_ =	task [dreg:s7], $0x5FFFF  }
0xac: {  	[dreg:$0x1] =	wrdreg $0xFFFFFFFF  }
0xad: {  	[dreg:$0x0] =	wrdreg $0x60  }
0xae: {  	[dreg:$0x2] =	wrdreg s2  }
0xaf: {  	[dreg:$0x3] =	wrdreg s24  }
0xb0: {  	[dreg:$0x4] =	wrdreg $0x9  }
0xb1: {  	_ =	task.clear_ibuf [dreg:s7], $0x5FFFF;
	_ =	strace $0x90000046  }
0xb2: {  	s29 =	simm.s32 $0x9;
	_ =	strace $0x80000048  }
0xb3: {  	_ =	swait.ge [sflag:s29], $0x1  }
0xb4: {  	[sflag:s29] =	ssyncadd.s32 $0xFFFFFFFF  }
0xb5: {  	_ =	strace $0x90000048  }
0xb6: {  	_ =	sfence  }
0xb7: {  	s30 =	sld [smem:$0x0];
	_ =	sdelay $0x2  }
0xb8: {  	s31 =	sshll.u32 s1, $0xD;
	s1 =	sshrl.u32 s1, $0x2  }
0xb9: {  	s3 =	sand.u32 $0x4000, s31;
	s1 =	sadd.s32 s1, s30  }
0xba: {  	s0 =	sor.u32 s3, s0;
	s1 =	sshll.u32 s1, $0x11  }
0xbb: {  	s0 =	sor.u32 s1, s0  }
0xbc: {  	s0 =	sadd.s32 $0x8F2B, s0  }
0xbd: {  	[sflag:s0] =	ssyncadd.remote.s32 $0x1  }
0xbe: {  	_ =	sfence.sel $0xFFFF  }
0xbf: {  	[dreg:$0x0] =	wrdreg $0xFFFFFFFF;
	(pc) =	sbr.abs _section_cstart, $3  }
0xc0: {  	[dreg:$0x1] =	wrdreg $0xFFFFFFFF  }
0xc1: {  	_ =	task.clear_ibuf [dreg:s7], $0x2FFFF;
	_ =	strace $0x9FFFFFFF  }
0xc2: {  	(tm) =	ssettm $0x7FFFFFFF  }
0xc3: {  	_ =	shalt  }
tec
execute0_lowered:
.L_overlay_start_1:
0x0: {  	(tag) =	ssettag $0x1  }
0x1: {  	s0 =	rddreg [dreg:$0x0]  }
0x2: {  	s6 =	rddreg [dreg:$0x1]  }
0x3: {  	s2 =	simm.s32 $0x0;
	s3 =	srdreg.scid;
	s1 =	stileid.u32  }
0x4: {  	s10 =	simm.s32 $0x3;
	s11 =	simm.s32 $0x65A0;
	s12 =	simm.s32 $0x80  }
0x5: {  	s13 =	simm.s32 $0x400;
	s14 =	simm.s32 $0xC00;
	s15 =	simm.s32 $0x100  }
0x6: {  	s16 =	simm.s32 $0x1400;
	s17 =	simm.s32 $0x180;
	s18 =	simm.s32 $0x1C00  }
0x7: {  	s19 =	simm.s32 $0x200;
	s20 =	simm.s32 $0x4000;
	s21 =	simm.s32 $0x4400  }
0x8: {  	s22 =	simm.s32 $0x0;
	[smem:$0x7FF] =	sst s2;
	s5 =	sand.u32 $0x1, s3  }
0x9: {  	s3 =	sadd.s32 $0xF42E00, s6;
	s7 =	sshll.u32 s1, $0x7;
	s4 =	sadd.s32 $0xC00, s6  }
0xa: {  	_ =	strace $0x80000047;
	s8 =	sshll.u32 s5, $0x6;
	s30 =	ssub.s32 $0x2, s5  }
0xb: {  	s5 =	sadd.s32 $0xA00, s6;
	s7 =	sor.u32 s8, s7;
	s31 =	sshrl.u32 s30, $0x1  }
0xc: {  	v0 =	vlaneseq.u32;
	s9 =	sadd.s32 s7, s6;
	s8 =	ssub.s32 s30, s31;
	s6 =	sadd.s32 s0, s7  }
0xd: {  	v0 =	vmul.u32 $0x10, v0;
	s7 =	sadd.s32 $0xE00, s9;
	s8 =	smax.u32 s8, $0x1;
	s9 =	simm.s32 $0x6400  }
.LBB2_1:
0xe: {  	[tilespmem:s9], [sflag:$0x3] =	stream.linear.gather [hbm4b:s4+s2], $0x1A0, $0x38;
	[tilespmem:$0x6740] =	vst v63  }
0xf: {  	_ =	swait.ge [sflag:s10], $0x1A0  }
0x10: {  	[sflag:s10] =	ssyncset.done $0x0  }
0x11: {  	[sflag:s10] =	ssyncadd.s32 $0xFFFFFE60  }
0x12: {  	[tilespmem:s11], [sflag:$0x3] =	stream.linear.gather [hbm4b:s5+s2], $0x1A0, $0x38;
	[tilespmem:$0x6740] =	vst v63  }
0x13: {  	_ =	swait.ge [sflag:s10], $0x1A0  }
0x14: {  	[sflag:s10] =	ssyncset.done $0x0  }
0x15: {  	[sflag:s10] =	ssyncadd.s32 $0xFFFFFE60  }
0x16: {  	[tilespmem:s2], [sflag:$0x3] =	stream.linear.gather [hbm4b:s6+s2], $0x200, $0x38;
	[tilespmem:$0x6740] =	vst v63  }
0x17: {  	_ =	swait.ge [sflag:s10], $0x200  }
0x18: {  	[sflag:s10] =	ssyncset.done $0x0  }
0x19: {  	[sflag:s10] =	ssyncadd.s32 $0xFFFFFE00  }
0x1a: {  	[tilespmem:s13], [sflag:$0x1] =	stream.indirect.gather [hbm4b:s3+s12], $0x10, s2, s12, $0xb8;
	[tilespmem:$0x6740] =	vst v63  }
0x1b: {  	_ = 	snop  }
0x1c: {  	[tilespmem:s14], [sflag:$0x1] =	stream.indirect.gather [hbm4b:s3+s12], $0x10, s12, s12, $0xb8;
	[tilespmem:$0x6740] =	vst v63  }
0x1d: {  	_ = 	snop  }
0x1e: {  	[tilespmem:s16], [sflag:$0x1] =	stream.indirect.gather [hbm4b:s3+s12], $0x10, s15, s12, $0xb8;
	[tilespmem:$0x6740] =	vst v63  }
0x1f: {  	s24 =	simm.s32 $0x0  }
0x20: {  	[tilespmem:s18], [sflag:$0x1] =	stream.indirect.gather [hbm4b:s3+s12], $0x10, s17, s12, $0xb8;
	[tilespmem:$0x6740] =	vst v63  }
.LBB2_2:
0x21: {  	s0 =	sand.u32 $0x1, s24;
	s23 =	sadd.s32 $0x1, s24;
	p0 =	seq.s32 s24, $0x19  }
0x22: {  	s25 =	sxor.u32 @!p0 $0x1, s0;
	s26 =	sshll.u32 @!p0 s23, $0xB  }
0x23: {  	s29 =	simm.s32 @!p0 $0x0;
	s28 =	sshll.u32 @!p0 s25, $0x9;
	s26 =	sadd.s32 @!p0 s26, s6  }
0x24: {  	[tilespmem:s28], [sflag:$0x3] =	stream.linear.gather @!p0 [hbm4b:s26+s29], $0x200, $0x38;
	[tilespmem:$0x6740] =	vst v63  }
0x25: {  	s26 =	simm.s32 @!p0 $0x3  }
0x26: {  	_ =	swait.ge @!p0 [sflag:s26], $0x200  }
0x27: {  	[sflag:s26] =	ssyncset.done @!p0 $0x0  }
0x28: {  	[sflag:s26] =	ssyncadd.s32 @!p0 $0xFFFFFE00;
	s26 =	sshll.u32 @!p0 s25, $0xD  }
0x29: {  	s30 =	simm.s32 @!p0 $0x80;
	s25 =	sadd.s32 @!p0 $0x1, s25;
	s29 =	sor.u32 @!p0 $0x400, s26  }
0x2a: {  	[tilespmem:s29], [sflag:s25] =	stream.indirect.gather @!p0 [hbm4b:s3+s30], $0x10, s28, s30, $0xb8;
	[tilespmem:$0x6740] =	vst v63  }
0x2b: {  	s31 =	sor.u32 @!p0 $0x80, s28;
	s29 =	sor.u32 @!p0 $0xC00, s26  }
0x2c: {  	[tilespmem:s29], [sflag:s25] =	stream.indirect.gather @!p0 [hbm4b:s3+s30], $0x10, s31, s30, $0xb8;
	[tilespmem:$0x6740] =	vst v63  }
0x2d: {  	s29 =	sor.u32 @!p0 $0x1400, s26;
	s31 =	sor.u32 @!p0 $0x100, s28  }
0x2e: {  	[tilespmem:s29], [sflag:s25] =	stream.indirect.gather @!p0 [hbm4b:s3+s30], $0x10, s31, s30, $0xb8;
	[tilespmem:$0x6740] =	vst v63  }
0x2f: {  	s26 =	sor.u32 @!p0 $0x1C00, s26;
	s28 =	sor.u32 @!p0 $0x180, s28  }
0x30: {  	[tilespmem:s26], [sflag:s25] =	stream.indirect.gather @!p0 [hbm4b:s3+s30], $0x10, s28, s30, $0xb8;
	[tilespmem:$0x6740] =	vst v63  }
0x31: {  	s30 =	sadd.s32 $0x1, s0  }
0x32: {  	s31 =	sshll.u32 s24, $0x4;
	s29 =	simm.s32 $0x0;
	_ =	swait.ge [sflag:s30], $0x2000  }
0x33: {  	s0 =	sshll.u32 s0, $0xD;
	s26 =	simm.s32 $0x0;
	[sflag:s30] =	ssyncset.done $0x0  }
0x34: {  	v1 =	vmov s31;
	s28 =	simm.s32 $0x4420;
	s25 =	sor.u32 $0x400, s0;
	[sflag:s30] =	ssyncadd.s32 $0xFFFFE000  }
.LBB2_3:
0x35: {  	v2 =	vmov s29  }
0x36: {  	v2 =	vand.u32 $0xF, v2  }
0x37: {  	v4 =	vmov s26;
	v3 =	vor.u32 v1, v2  }
0x38: {  	v2 =	vbroadcast v2, $0x0;
	v5 =	vbroadcast v3, $0x0;
	v3 =	vshll.u32 v4, $0x4  }
0x39: {  	v3 =	vor.u32 v0, v3  }
0x3a: {  	v4 =	vor.u32 v2, v3;
	_ =	sdelay $0x3  }
0x3b: {  	v3 =	vld.idx.msk [tilespmem:v5+s9+$0x0], $0xffff  }
0x3c: {  	v6 =	vld.idx.msk [tilespmem:v4+s25+$0x0], $0xffff  }
0x3d: {  	s0 =	simm.s32 $0x10  }
0x3e: {  	v4 =	vld.idx.msk [tilespmem:v5+s11+$0x0], $0xffff;
	v5 =	vmov s0  }
0x3f: {  	v5 =	vshll.u32 v5, $0x4  }
0x40: {  	v5 =	vor.u32 v0, v5  }
0x41: {  	v5 =	vor.u32 v2, v5;
	v6 =	vmul.f32 v6, v3;
	_ =	sdelay $0x1  }
0x42: {  	v6 =	vadd.f32 v6, v4;
	_ =	sdelay $0x1  }
0x43: {  	[tilespmem:s28+$0xFFFFFFE0] =	vst v6  }
0x44: {  	v5 =	vld.idx.msk [tilespmem:v5+s25+$0x0], $0xffff  }
0x45: {  	s1 =	simm.s32 $0x20  }
0x46: {  	v6 =	vmov s1  }
0x47: {  	v6 =	vshll.u32 v6, $0x4  }
0x48: {  	v6 =	vor.u32 v0, v6  }
0x49: {  	v6 =	vor.u32 v2, v6;
	v5 =	vmul.f32 v5, v3;
	_ =	sdelay $0x1  }
0x4a: {  	v5 =	vadd.f32 v5, v4;
	_ =	sdelay $0x1  }
0x4b: {  	[tilespmem:s28+$0xFFFFFFF0] =	vst v5  }
0x4c: {  	v5 =	vld.idx.msk [tilespmem:v6+s25+$0x0], $0xffff  }
0x4d: {  	s1 =	simm.s32 $0x30  }
0x4e: {  	v6 =	vmov s1  }
0x4f: {  	v6 =	vshll.u32 v6, $0x4  }
0x50: {  	v6 =	vor.u32 v0, v6  }
0x51: {  	v6 =	vor.u32 v2, v6;
	v5 =	vmul.f32 v5, v3;
	_ =	sdelay $0x1  }
0x52: {  	v5 =	vadd.f32 v5, v4;
	_ =	sdelay $0x1  }
0x53: {  	[tilespmem:s28+$0x0] =	vst v5  }
0x54: {  	v5 =	vld.idx.msk [tilespmem:v6+s25+$0x0], $0xffff  }
0x55: {  	s30 =	simm.s32 $0x40  }
0x56: {  	s31 =	smov.u32 s28;
	s0 =	simm.s32 $0x80;
	v6 =	vmov s30  }
.LBB2_4:
0x57: {  	p0 =	sne.s32 s0, $0x1C0;
	v6 =	vshll.u32 v6, $0x4  }
0x58: {  	v6 =	vor.u32 v0, v6  }
0x59: {  	v5 =	vmul.f32 v5, v3;
	v6 =	vor.u32 v2, v6;
	_ =	sdelay $0x1  }
0x5a: {  	v5 =	vadd.f32 v5, v4;
	_ =	sdelay $0x1  }
0x5b: {  	[tilespmem:s31+$0x10] =	vst v5  }
0x5c: {  	v5 =	vld.idx.msk [tilespmem:v6+s25+$0x0], $0xffff;
	_ =	sdelay $0x1  }
0x5d: {  	s1 =	sadd.s32 $0x10, s30  }
0x5e: {  	v6 =	vmov s1  }
0x5f: {  	v6 =	vshll.u32 v6, $0x4  }
0x60: {  	v6 =	vor.u32 v0, v6  }
0x61: {  	v6 =	vor.u32 v2, v6;
	v5 =	vmul.f32 v5, v3;
	_ =	sdelay $0x1  }
0x62: {  	v5 =	vadd.f32 v5, v4  }
0x63: {  	s31 =	sadd.s32 $0x40, s31  }
0x64: {  	[tilespmem:s31+$0xFFFFFFE0] =	vst v5  }
0x65: {  	v5 =	vld.idx.msk [tilespmem:v6+s25+$0x0], $0xffff;
	_ =	sdelay $0x1  }
0x66: {  	s1 =	sadd.s32 $0x20, s30  }
0x67: {  	v6 =	vmov s1  }
0x68: {  	v6 =	vshll.u32 v6, $0x4  }
0x69: {  	v6 =	vor.u32 v0, v6  }
0x6a: {  	v6 =	vor.u32 v2, v6;
	v5 =	vmul.f32 v5, v3;
	_ =	sdelay $0x1  }
0x6b: {  	v5 =	vadd.f32 v5, v4;
	_ =	sdelay $0x1  }
0x6c: {  	[tilespmem:s31+$0xFFFFFFF0] =	vst v5  }
0x6d: {  	v5 =	vld.idx.msk [tilespmem:v6+s25+$0x0], $0xffff;
	_ =	sdelay $0x1  }
0x6e: {  	s1 =	sadd.s32 $0x30, s30;
	s30 =	smov.u32 s0  }
0x6f: {  	v6 =	vmov s1  }
0x70: {  	v6 =	vshll.u32 v6, $0x4  }
0x71: {  	v6 =	vor.u32 v0, v6  }
0x72: {  	v6 =	vor.u32 v2, v6;
	v5 =	vmul.f32 v5, v3;
	_ =	sdelay $0x1  }
0x73: {  	v5 =	vadd.f32 v5, v4;
	_ =	sdelay $0x1  }
.Ltmp0:
0x74: {  	[tilespmem:s31+$0x0] =	vst v5;
	(pc) =	sbr.rel @p0 .LBB2_4-.Ltmp0, $2  }
0x75: {  	v5 =	vld.idx.msk [tilespmem:v6+s25+$0x0], $0xffff;
	_ =	sdelay $0x2  }
0x76: {  	s0 =	sadd.s32 $0x40, s0;
	v6 =	vmov s30  }
0x77: {  	v6 =	vshll.u32 v6, $0x4  }
0x78: {  	v6 =	vor.u32 v0, v6  }
0x79: {  	v5 =	vmul.f32 v5, v3;
	v6 =	vor.u32 v2, v6;
	_ =	sdelay $0x1  }
0x7a: {  	v5 =	vadd.f32 v5, v4;
	_ =	sdelay $0x1  }
0x7b: {  	[tilespmem:s31+$0x10] =	vst v5  }
0x7c: {  	v5 =	vld.idx.msk [tilespmem:v6+s25+$0x0], $0xffff  }
0x7d: {  	s0 =	sadd.s32 $0x10, s30  }
0x7e: {  	v61 =	vmov s0  }
0x7f: {  	v6 =	vshll.u32 v61, $0x4  }
0x80: {  	v6 =	vor.u32 v0, v6  }
0x81: {  	v6 =	vor.u32 v2, v6;
	v5 =	vmul.f32 v5, v3;
	_ =	sdelay $0x1  }
0x82: {  	v5 =	vadd.f32 v5, v4  }
0x83: {  	s0 =	sadd.s32 $0x40, s31  }
0x84: {  	[tilespmem:s0+$0xFFFFFFE0] =	vst v5  }
0x85: {  	v5 =	vld.idx.msk [tilespmem:v6+s25+$0x0], $0xffff  }
0x86: {  	s1 =	sadd.s32 $0x20, s30  }
0x87: {  	v62 =	vmov s1  }
0x88: {  	v6 =	vshll.u32 v62, $0x4  }
0x89: {  	v6 =	vor.u32 v0, v6  }
0x8a: {  	v6 =	vor.u32 v2, v6;
	v5 =	vmul.f32 v5, v3;
	_ =	sdelay $0x1  }
0x8b: {  	v5 =	vadd.f32 v5, v4;
	_ =	sdelay $0x1  }
0x8c: {  	[tilespmem:s0+$0xFFFFFFF0] =	vst v5  }
0x8d: {  	v5 =	vld.idx.msk [tilespmem:v6+s25+$0x0], $0xffff  }
0x8e: {  	s31 =	sadd.s32 $0x30, s30  }
0x8f: {  	v63 =	vmov s31  }
0x90: {  	v6 =	vshll.u32 v63, $0x4  }
0x91: {  	v6 =	vor.u32 v0, v6  }
0x92: {  	v2 =	vor.u32 v2, v6;
	v5 =	vmul.f32 v5, v3;
	_ =	sdelay $0x1  }
0x93: {  	v5 =	vadd.f32 v5, v4;
	_ =	sdelay $0x1  }
0x94: {  	[tilespmem:s0+$0x0] =	vst v5  }
0x95: {  	v2 =	vld.idx.msk [tilespmem:v2+s25+$0x0], $0xffff;
	_ =	sdelay $0x2  }
0x96: {  	s29 =	sadd.s32 $0x1, s29  }
0x97: {  	p0 =	sne.s32 s29, $0x10  }
.Ltmp1:
0x98: {  	v2 =	vmul.f32 v2, v3;
	(pc) =	sbr.rel @p0 .LBB2_3-.Ltmp1, $3  }
0x99: {  	_ = 	snop  }
0x9a: {  	v2 =	vadd.f32 v2, v4;
	_ =	sdelay $0x1  }
0x9b: {  	s28 =	sadd.s32 $0x200, s28;
	[tilespmem:s0+$0x10] =	vst v2  }
0x9c: {  	s0 =	sshll.u32 s24, $0xF;
	p0 =	sne.s32 s23, $0x1A  }
.Ltmp2:
0x9d: {  	s0 =	sadd.s32 s0, s7;
	(pc) =	sbr.rel @p0 .LBB2_2-.Ltmp2, $4  }
0x9e: {  	[hbm4b:s0+s19] =	stream.strided.scatter [tilespmem:s21], [sflag:$0x3], $0x2000, s20, s19, $0x38;
	[tilespmem:$0x6740] =	vst v63  }
0x9f: {  	_ =	swait.ge [sflag:s10], $0x2000  }
0xa0: {  	[sflag:s10] =	ssyncset.done $0x0  }
0xa1: {  	s24 =	smov.u32 s23;
	[sflag:s10] =	ssyncadd.s32 $0xFFFFE000  }
0xa2: {  	s22 =	sadd.s32 $0x1, s22  }
0xa3: {  	p0 =	sne.s32 s22, s8  }
.Ltmp3:
0xa4: {  	_ = 	snop;
	(pc) =	sbr.rel @p0 .LBB2_1-.Ltmp3, $1  }
0xa5: {  	_ =	sdelay $0x3  }
0xa6: {  	_ =	sfence.sel $0x180000  }
0xa7: {  	[bflag:$0x0] =	sbarrier.arrive $0xFFFF  }
0xa8: {  	_ =	strace $0x90000047  }
0xa9: {  	s0 =	stileid.u32;
	[bflag:$0x2] =	sbarrier.arrive $0xFFFF  }
0xaa: {  	p0 =	sne.s32 s0, $0x0;
	s0 =	rddreg [dreg:$0x2]  }
0xab: {  	s0 =	sadd.s32 @!p0 $0x100000, s0  }
0xac: {  	[sflag:s0] =	ssyncadd.tile.s32 @!p0 $0x1;
	_ =	shalt  }
.Lfunc_end2:
_tile_overlayer_lowered:
.L_overlay_start_2:
0xad: {  	(tag) =	ssettag $0x2  }
0xae: {  	s0 =	rddreg [dreg:$0x0];
	s2 =	stileid.u32  }
0xaf: {  	s1 =	rddreg [dreg:$0x1];
	p0 =	sne.s32 s2, $0x0  }
0xb0: {  	s3 =	rddreg [dreg:$0x2];
	[bflag:$0x3] =	sbarrier.arrive $0xFFFF;
	s2 =	simm.s32 @!p0 $0x1C03  }
0xb1: {  	[timem:s3], [sflag:s2] =	dma.local @!p0 [hbm:s0], s1  }
0xb2: {  	s0 =	simm.s32 @!p0 $0x3  }
0xb3: {  	_ =	swait.ge @!p0 [sflag:s0], s1  }
0xb4: {  	s1 =	ssub.s32 @!p0 $0x0, s1;
	[sflag:s0] =	ssyncset.done @!p0 $0x0  }
0xb5: {  	[sflag:s0] =	ssyncadd.s32 @!p0 s1  }
0xb6: {  	[bflag:$0x3] =	sbarrier.arrive $0xFFFF  }
0xb7: {  	_ =	shalt  }

</sc_bundles>
